<compile_context>
chip_gen: v7x
topology: tpu7x:2x2x1
jax: 0.10.2.dev20260603
libtpu: 0.0.44.dev20260713+nightly
codegen_flags: <defaults>
</compile_context>

<pallas_src>
import functools

import jax
import jax.numpy as jnp
from jax import lax
from jax.experimental import pallas as pl
from jax.experimental.pallas import tpu as pltpu
from jax.experimental.pallas import tpu_sc as plsc

D = 128
V = 1000
VP = 1024
B = 4096 * 200
NC, NS = 2, 16
NW = NC * NS
BPW = B // NW
CH = 128
NCH = BPW // CH
SS = 4
NGRP = NCH // SS

_mesh = plsc.VectorSubcoreMesh(core_axis_name="c", subcore_axis_name="s")


@functools.partial(
    pl.kernel,
    mesh=_mesh,
    out_type=jax.ShapeDtypeStruct((B, D), jnp.float32),
    scratch_types=[
        pltpu.VMEM_SHARED((VP, D), jnp.float32),
        pltpu.VMEM((NCH, CH), jnp.int32),
        pltpu.VMEM((SS * CH, D), jnp.float32),
        [pltpu.SemaphoreType.DMA] * SS,
        [pltpu.SemaphoreType.DMA] * SS,
    ],
)
def _emb_lookup(idx_hbm, table_hbm, out_hbm, table_sh, idx_v, rows_v, gsems, wsems):
    cid = lax.axis_index("c")
    sid = lax.axis_index("s")
    wid = sid * NC + cid
    base = wid * BPW

    rows_per_sub = VP // NS
    pltpu.sync_copy(
        table_hbm.at[pl.ds(sid * rows_per_sub, rows_per_sub)],
        table_sh.at[pl.ds(sid * rows_per_sub, rows_per_sub)],
    )
    pltpu.sync_copy(idx_hbm.at[pl.ds(wid * NCH, NCH)], idx_v)
    plsc.subcore_barrier()

    def _g(chunk, b):
        return pltpu.make_async_copy(
            table_sh.at[idx_v.at[chunk]],
            rows_v.at[pl.ds(b * CH, CH)],
            gsems[b],
        )

    def _w(chunk, b):
        return pltpu.make_async_copy(
            rows_v.at[pl.ds(b * CH, CH)],
            out_hbm.at[pl.ds(base + chunk * CH, CH)],
            wsems[b],
        )

    _g(0, 0).start()
    _g(1, 1).start()

    def body(grp, _):
        c0 = grp * SS

        @pl.when(grp > 0)
        def _():
            _w(c0 - 2, 2).wait()
            _w(c0 - 1, 3).wait()

        _g(c0 + 2, 2).start()
        _g(c0 + 3, 3).start()
        _g(c0, 0).wait()
        _g(c0 + 1, 1).wait()
        _w(c0, 0).start()
        _w(c0 + 1, 1).start()
        _w(c0, 0).wait()
        _w(c0 + 1, 1).wait()

        @pl.when(c0 + SS < NCH)
        def _():
            _g(c0 + 4, 0).start()
            _g(c0 + 5, 1).start()

        _g(c0 + 2, 2).wait()
        _g(c0 + 3, 3).wait()
        _w(c0 + 2, 2).start()
        _w(c0 + 3, 3).start()
        return 0

    lax.fori_loop(0, NGRP, body, 0)

    _w(NCH - 2, 2).wait()
    _w(NCH - 1, 3).wait()


def kernel(time, emb_weight):
    idx = time.reshape(-1, CH).astype(jnp.int32)
    table = jnp.zeros((VP, D), jnp.float32).at[:V].set(emb_weight)
    out = _emb_lookup(idx, table)
    return out.reshape(time.shape + (D,))

# --- scband reference (transcript-rebuilt; emitter-appended) ---
"""Pipeline reference for scband-time-embeddings-30451318128801 (READ-ONLY COPY).

The authoritative reference and input builder live on the scoring server;
editing this copy changes nothing except your own understanding.
"""

import jax, jax.numpy as jnp
import numpy as np

TIME_SIZE = 1000
EMBED_DIM = 128
BATCH = 4096
HIST = 200

def setup_inputs(seed: int = 0) -> dict:
    key = jax.random.key(seed)
    k_idx, k_w = jax.random.split(key)
    time = jax.random.randint(k_idx, (BATCH, HIST), 0, TIME_SIZE, dtype=jnp.int64 if jax.config.read('jax_enable_x64') else jnp.int32)
    emb_weight = jax.random.normal(k_w, (TIME_SIZE, EMBED_DIM), dtype=jnp.float32)
    return {"time": time, "emb_weight": emb_weight}

def reference(time, emb_weight):
    # nn.Embedding forward: gather rows of the table by index
    x = jnp.take(emb_weight, time, axis=0)
    return x

if __name__ == "__main__":
    import jax
    _d = setup_inputs()
    print(jax.jit(kernel)(*tuple(_d.values())))

</pallas_src>

<mosaic_0001>
#map = affine_map<(d0, d1) -> (0, 0)>
module attributes {stable_mosaic.version = 14 : i64} {
  func.func @_emb_lookup(%arg0: i32, %arg1: i32, %arg2: memref<6400x128xi32, #tpu.memory_space<hbm>>, %arg3: memref<1024x128xf32, #tpu.memory_space<hbm>>, %arg4: memref<819200x128xf32, #tpu.memory_space<hbm>>, %arg5: memref<1024x128xf32, #tpu.memory_space<vmem_shared>>, %arg6: memref<200x128xi32, #tpu.memory_space<vmem>>, %arg7: memref<512x128xf32, #tpu.memory_space<vmem>>, %arg8: memref<!tpu.dma_semaphore, #tpu.memory_space<semaphore_mem>>, %arg9: memref<!tpu.dma_semaphore, #tpu.memory_space<semaphore_mem>>, %arg10: memref<!tpu.dma_semaphore, #tpu.memory_space<semaphore_mem>>, %arg11: memref<!tpu.dma_semaphore, #tpu.memory_space<semaphore_mem>>, %arg12: memref<!tpu.dma_semaphore, #tpu.memory_space<semaphore_mem>>, %arg13: memref<!tpu.dma_semaphore, #tpu.memory_space<semaphore_mem>>, %arg14: memref<!tpu.dma_semaphore, #tpu.memory_space<semaphore_mem>>, %arg15: memref<!tpu.dma_semaphore, #tpu.memory_space<semaphore_mem>>) attributes {dimension_semantics = [#tpu.dimension_semantics<core_parallel>, #tpu.dimension_semantics<subcore_parallel>], iteration_bounds = array<i64: 2, 16>, scalar_prefetch = 0 : i64, scratch_operands = 11 : i64, tpu.core_type = #tpu.core_type<sc_vector_subcore>, window_params = [{transform_indices = #map}, {transform_indices = #map}, {transform_indices = #map}]} {
    %mul3A = arith.constant 2 : i32
    %mul3A_0 = arith.muli %arg1, %mul3A : i32
    %add3A = arith.addi %mul3A_0, %arg0 : i32
    %mul3A_1 = arith.constant 25600 : i32
    %mul3A_2 = arith.muli %add3A, %mul3A_1 : i32
    %mul3A_3 = arith.constant 64 : i32
    %mul3A_4 = arith.muli %arg1, %mul3A_3 : i32
    %mul3A_5 = arith.constant 64 : i32
    %mul3A_6 = arith.muli %arg1, %mul3A_5 : i32
    "tpu.region"() ({
      %run_scoped3A = tpu.sem_alloc : memref<!tpu.dma_semaphore, #tpu.memory_space<semaphore_mem>>
      %dma_start3A_57 = arith.constant 0 : i32
      %dma_start3A_58 = tpu.memref_slice %arg5[%mul3A_6, %dma_start3A_57] : memref<1024x128xf32, #tpu.memory_space<vmem_shared>> -> memref<64x128xf32, #tpu.memory_space<vmem_shared>>
      %dma_start3A_59 = arith.constant 0 : i32
      %dma_start3A_60 = tpu.memref_slice %arg3[%mul3A_4, %dma_start3A_59] : memref<1024x128xf32, #tpu.memory_space<hbm>> -> memref<64x128xf32, #tpu.memory_space<hbm>>
      tpu.enqueue_dma source(%dma_start3A_60 : memref<64x128xf32, #tpu.memory_space<hbm>>) target(%dma_start3A_58 : memref<64x128xf32, #tpu.memory_space<vmem_shared>>) target_semaphore(%run_scoped3A : memref<!tpu.dma_semaphore, #tpu.memory_space<semaphore_mem>>)
      %dma_wait3A_61 = arith.constant 0 : i32
      %dma_wait3A_62 = tpu.memref_slice %arg5[%mul3A_6, %dma_wait3A_61] : memref<1024x128xf32, #tpu.memory_space<vmem_shared>> -> memref<64x128xf32, #tpu.memory_space<vmem_shared>>
      %dma_wait3A_63 = arith.constant 0 : i32
      %dma_wait3A_64 = tpu.memref_slice %arg3[%mul3A_4, %dma_wait3A_63] : memref<1024x128xf32, #tpu.memory_space<hbm>> -> memref<64x128xf32, #tpu.memory_space<hbm>>
      tpu.wait_dma2 semaphore(%run_scoped3A : memref<!tpu.dma_semaphore, #tpu.memory_space<semaphore_mem>>) src(%dma_wait3A_64 : memref<64x128xf32, #tpu.memory_space<hbm>>) dst(%dma_wait3A_62 : memref<64x128xf32, #tpu.memory_space<vmem_shared>>)
      tpu.yield
    }) : () -> ()
    %mul3A_7 = arith.constant 200 : i32
    %mul3A_8 = arith.muli %add3A, %mul3A_7 : i32
    "tpu.region"() ({
      %run_scoped3A = tpu.sem_alloc : memref<!tpu.dma_semaphore, #tpu.memory_space<semaphore_mem>>
      %dma_start3A_57 = arith.constant 0 : i32
      %dma_start3A_58 = tpu.memref_slice %arg2[%mul3A_8, %dma_start3A_57] : memref<6400x128xi32, #tpu.memory_space<hbm>> -> memref<200x128xi32, #tpu.memory_space<hbm>>
      %dma_start3A_59 = arith.constant 0 : i32
      %dma_start3A_60 = tpu.memref_slice %arg2[%mul3A_8, %dma_start3A_59] : memref<6400x128xi32, #tpu.memory_space<hbm>> -> memref<200x128xi32, #tpu.memory_space<hbm>>
      tpu.enqueue_dma source(%dma_start3A_60 : memref<200x128xi32, #tpu.memory_space<hbm>>) target(%arg6 : memref<200x128xi32, #tpu.memory_space<vmem>>) target_semaphore(%run_scoped3A : memref<!tpu.dma_semaphore, #tpu.memory_space<semaphore_mem>>)
      %dma_wait3A_61 = arith.constant 0 : i32
      %dma_wait3A_62 = tpu.memref_slice %arg2[%mul3A_8, %dma_wait3A_61] : memref<6400x128xi32, #tpu.memory_space<hbm>> -> memref<200x128xi32, #tpu.memory_space<hbm>>
      %dma_wait3A_63 = arith.constant 0 : i32
      %dma_wait3A_64 = tpu.memref_slice %arg2[%mul3A_8, %dma_wait3A_63] : memref<6400x128xi32, #tpu.memory_space<hbm>> -> memref<200x128xi32, #tpu.memory_space<hbm>>
      tpu.wait_dma2 semaphore(%run_scoped3A : memref<!tpu.dma_semaphore, #tpu.memory_space<semaphore_mem>>) src(%dma_wait3A_64 : memref<200x128xi32, #tpu.memory_space<hbm>>) dst(%arg6 : memref<200x128xi32, #tpu.memory_space<vmem>>)
      tpu.yield
    }) : () -> ()
    %barrier3A = arith.constant 0 : index
    tpu.barrier barrier_id(%barrier3A)
    %dma_start3A = arith.constant 0 : i32
    %dma_start3A_9 = arith.constant 0 : i32
    %dma_start3A_10 = arith.constant 0 : i32
    %dma_start3A_11 = tpu.memref_slice %arg7[%dma_start3A_9, %dma_start3A_10] : memref<512x128xf32, #tpu.memory_space<vmem>> -> memref<128x128xf32, #tpu.memory_space<vmem>>
    %dma_start3A_12 = arith.constant 0 : i32
    %dma_start3A_13 = tpu.memref_slice %arg6[%dma_start3A, %dma_start3A_12] : memref<200x128xi32, #tpu.memory_space<vmem>> -> memref<1x128xi32, #tpu.memory_space<vmem>>
    %dma_start3A_14 = tpu.memref_squeeze %dma_start3A_13 : memref<1x128xi32, #tpu.memory_space<vmem>> -> memref<128xi32, #tpu.memory_space<vmem>>
    %dma_start3A_15 = arith.constant 0 : i32
    %dma_start3A_16 = arith.constant 0 : i32
    %dma_start3A_17 = tpu.memref_slice %arg5[%dma_start3A_15, %dma_start3A_16] : memref<1024x128xf32, #tpu.memory_space<vmem_shared>> -> memref<1024x128xf32, #tpu.memory_space<vmem_shared>>
    tpu.enqueue_indirect_dma source(%dma_start3A_17 : memref<1024x128xf32, #tpu.memory_space<vmem_shared>>) target(%dma_start3A_11 : memref<128x128xf32, #tpu.memory_space<vmem>>) offsets(%dma_start3A_14 : memref<128xi32, #tpu.memory_space<vmem>>) semaphore(%arg8 : memref<!tpu.dma_semaphore, #tpu.memory_space<semaphore_mem>>)
    %dma_start3A_18 = arith.constant 1 : i32
    %dma_start3A_19 = arith.constant 128 : i32
    %dma_start3A_20 = arith.constant 0 : i32
    %dma_start3A_21 = tpu.memref_slice %arg7[%dma_start3A_19, %dma_start3A_20] : memref<512x128xf32, #tpu.memory_space<vmem>> -> memref<128x128xf32, #tpu.memory_space<vmem>>
    %dma_start3A_22 = arith.constant 0 : i32
    %dma_start3A_23 = tpu.memref_slice %arg6[%dma_start3A_18, %dma_start3A_22] : memref<200x128xi32, #tpu.memory_space<vmem>> -> memref<1x128xi32, #tpu.memory_space<vmem>>
    %dma_start3A_24 = tpu.memref_squeeze %dma_start3A_23 : memref<1x128xi32, #tpu.memory_space<vmem>> -> memref<128xi32, #tpu.memory_space<vmem>>
    %dma_start3A_25 = arith.constant 0 : i32
    %dma_start3A_26 = arith.constant 0 : i32
    %dma_start3A_27 = tpu.memref_slice %arg5[%dma_start3A_25, %dma_start3A_26] : memref<1024x128xf32, #tpu.memory_space<vmem_shared>> -> memref<1024x128xf32, #tpu.memory_space<vmem_shared>>
    tpu.enqueue_indirect_dma source(%dma_start3A_27 : memref<1024x128xf32, #tpu.memory_space<vmem_shared>>) target(%dma_start3A_21 : memref<128x128xf32, #tpu.memory_space<vmem>>) offsets(%dma_start3A_24 : memref<128xi32, #tpu.memory_space<vmem>>) semaphore(%arg9 : memref<!tpu.dma_semaphore, #tpu.memory_space<semaphore_mem>>)
    %scan3A = arith.constant 0 : i32
    %scan3A_28 = arith.constant 0 : i32
    %scan3A_29 = arith.constant 50 : i32
    %scan3A_30 = arith.addi %scan3A_28, %scan3A_29 : i32
    %scan3A_31 = arith.constant 1 : i32
    %scan3A_32 = scf.for %scan3A_57 = %scan3A_28 to %scan3A_30 step %scan3A_31 iter_args(%scan3A_58 = %scan3A) -> (i32)  : i32 {
      %mul3A_59 = arith.constant 4 : i32
      %mul3A_60 = arith.muli %scan3A_57, %mul3A_59 : i32
      %gt3A = arith.constant 0 : i32
      %gt3A_61 = arith.cmpi sgt, %scan3A_57, %gt3A : i32
      %convert_element_type3A = arith.extui %gt3A_61 : i1 to i32
      %cond3A = arith.constant 0 : i32
      %cond3A_62 = arith.cmpi ne, %convert_element_type3A, %cond3A : i32
      scf.if %cond3A_62 {
        %sub3A = arith.constant 2 : i32
        %sub3A_220 = arith.subi %mul3A_60, %sub3A : i32
        %mul3A_221 = arith.constant 128 : i32
        %mul3A_222 = arith.muli %sub3A_220, %mul3A_221 : i32
        %add3A_223 = arith.addi %mul3A_2, %mul3A_222 : i32
        %dma_wait3A_224 = arith.constant 256 : i32
        %dma_wait3A_225 = arith.constant 0 : i32
        %dma_wait3A_226 = tpu.memref_slice %arg7[%dma_wait3A_224, %dma_wait3A_225] : memref<512x128xf32, #tpu.memory_space<vmem>> -> memref<128x128xf32, #tpu.memory_space<vmem>>
        %dma_wait3A_227 = arith.constant 0 : i32
        %dma_wait3A_228 = tpu.memref_slice %arg4[%add3A_223, %dma_wait3A_227] : memref<819200x128xf32, #tpu.memory_space<hbm>> -> memref<128x128xf32, #tpu.memory_space<hbm>>
        %dma_wait3A_229 = arith.constant 0 : i32
        %dma_wait3A_230 = tpu.memref_slice %arg4[%add3A_223, %dma_wait3A_229] : memref<819200x128xf32, #tpu.memory_space<hbm>> -> memref<128x128xf32, #tpu.memory_space<hbm>>
        %dma_wait3A_231 = arith.constant 256 : i32
        %dma_wait3A_232 = arith.constant 0 : i32
        %dma_wait3A_233 = tpu.memref_slice %arg7[%dma_wait3A_231, %dma_wait3A_232] : memref<512x128xf32, #tpu.memory_space<vmem>> -> memref<128x128xf32, #tpu.memory_space<vmem>>
        tpu.wait_dma2 semaphore(%arg14 : memref<!tpu.dma_semaphore, #tpu.memory_space<semaphore_mem>>) src(%dma_wait3A_233 : memref<128x128xf32, #tpu.memory_space<vmem>>) dst(%dma_wait3A_230 : memref<128x128xf32, #tpu.memory_space<hbm>>)
        %sub3A_234 = arith.constant 1 : i32
        %sub3A_235 = arith.subi %mul3A_60, %sub3A_234 : i32
        %mul3A_236 = arith.constant 128 : i32
        %mul3A_237 = arith.muli %sub3A_235, %mul3A_236 : i32
        %add3A_238 = arith.addi %mul3A_2, %mul3A_237 : i32
        %dma_wait3A_239 = arith.constant 384 : i32
        %dma_wait3A_240 = arith.constant 0 : i32
        %dma_wait3A_241 = tpu.memref_slice %arg7[%dma_wait3A_239, %dma_wait3A_240] : memref<512x128xf32, #tpu.memory_space<vmem>> -> memref<128x128xf32, #tpu.memory_space<vmem>>
        %dma_wait3A_242 = arith.constant 0 : i32
        %dma_wait3A_243 = tpu.memref_slice %arg4[%add3A_238, %dma_wait3A_242] : memref<819200x128xf32, #tpu.memory_space<hbm>> -> memref<128x128xf32, #tpu.memory_space<hbm>>
        %dma_wait3A_244 = arith.constant 0 : i32
        %dma_wait3A_245 = tpu.memref_slice %arg4[%add3A_238, %dma_wait3A_244] : memref<819200x128xf32, #tpu.memory_space<hbm>> -> memref<128x128xf32, #tpu.memory_space<hbm>>
        %dma_wait3A_246 = arith.constant 384 : i32
        %dma_wait3A_247 = arith.constant 0 : i32
        %dma_wait3A_248 = tpu.memref_slice %arg7[%dma_wait3A_246, %dma_wait3A_247] : memref<512x128xf32, #tpu.memory_space<vmem>> -> memref<128x128xf32, #tpu.memory_space<vmem>>
        tpu.wait_dma2 semaphore(%arg15 : memref<!tpu.dma_semaphore, #tpu.memory_space<semaphore_mem>>) src(%dma_wait3A_248 : memref<128x128xf32, #tpu.memory_space<vmem>>) dst(%dma_wait3A_245 : memref<128x128xf32, #tpu.memory_space<hbm>>)
      } else {
      }
      %add3A_63 = arith.constant 2 : i32
      %add3A_64 = arith.addi %mul3A_60, %add3A_63 : i32
      %dma_start3A_65 = arith.constant 256 : i32
      %dma_start3A_66 = arith.constant 0 : i32
      %dma_start3A_67 = tpu.memref_slice %arg7[%dma_start3A_65, %dma_start3A_66] : memref<512x128xf32, #tpu.memory_space<vmem>> -> memref<128x128xf32, #tpu.memory_space<vmem>>
      %dma_start3A_68 = arith.constant 0 : i32
      %dma_start3A_69 = tpu.memref_slice %arg6[%add3A_64, %dma_start3A_68] : memref<200x128xi32, #tpu.memory_space<vmem>> -> memref<1x128xi32, #tpu.memory_space<vmem>>
      %dma_start3A_70 = tpu.memref_squeeze %dma_start3A_69 : memref<1x128xi32, #tpu.memory_space<vmem>> -> memref<128xi32, #tpu.memory_space<vmem>>
      %dma_start3A_71 = arith.constant 0 : i32
      %dma_start3A_72 = arith.constant 0 : i32
      %dma_start3A_73 = tpu.memref_slice %arg5[%dma_start3A_71, %dma_start3A_72] : memref<1024x128xf32, #tpu.memory_space<vmem_shared>> -> memref<1024x128xf32, #tpu.memory_space<vmem_shared>>
      tpu.enqueue_indirect_dma source(%dma_start3A_73 : memref<1024x128xf32, #tpu.memory_space<vmem_shared>>) target(%dma_start3A_67 : memref<128x128xf32, #tpu.memory_space<vmem>>) offsets(%dma_start3A_70 : memref<128xi32, #tpu.memory_space<vmem>>) semaphore(%arg10 : memref<!tpu.dma_semaphore, #tpu.memory_space<semaphore_mem>>)
      %add3A_74 = arith.constant 3 : i32
      %add3A_75 = arith.addi %mul3A_60, %add3A_74 : i32
      %dma_start3A_76 = arith.constant 384 : i32
      %dma_start3A_77 = arith.constant 0 : i32
      %dma_start3A_78 = tpu.memref_slice %arg7[%dma_start3A_76, %dma_start3A_77] : memref<512x128xf32, #tpu.memory_space<vmem>> -> memref<128x128xf32, #tpu.memory_space<vmem>>
      %dma_start3A_79 = arith.constant 0 : i32
      %dma_start3A_80 = tpu.memref_slice %arg6[%add3A_75, %dma_start3A_79] : memref<200x128xi32, #tpu.memory_space<vmem>> -> memref<1x128xi32, #tpu.memory_space<vmem>>
      %dma_start3A_81 = tpu.memref_squeeze %dma_start3A_80 : memref<1x128xi32, #tpu.memory_space<vmem>> -> memref<128xi32, #tpu.memory_space<vmem>>
      %dma_start3A_82 = arith.constant 0 : i32
      %dma_start3A_83 = arith.constant 0 : i32
      %dma_start3A_84 = tpu.memref_slice %arg5[%dma_start3A_82, %dma_start3A_83] : memref<1024x128xf32, #tpu.memory_space<vmem_shared>> -> memref<1024x128xf32, #tpu.memory_space<vmem_shared>>
      tpu.enqueue_indirect_dma source(%dma_start3A_84 : memref<1024x128xf32, #tpu.memory_space<vmem_shared>>) target(%dma_start3A_78 : memref<128x128xf32, #tpu.memory_space<vmem>>) offsets(%dma_start3A_81 : memref<128xi32, #tpu.memory_space<vmem>>) semaphore(%arg11 : memref<!tpu.dma_semaphore, #tpu.memory_space<semaphore_mem>>)
      %dma_wait3A_85 = arith.constant 0 : i32
      %dma_wait3A_86 = arith.constant 0 : i32
      %dma_wait3A_87 = tpu.memref_slice %arg7[%dma_wait3A_85, %dma_wait3A_86] : memref<512x128xf32, #tpu.memory_space<vmem>> -> memref<128x128xf32, #tpu.memory_space<vmem>>
      %dma_wait3A_88 = arith.constant 0 : i32
      %dma_wait3A_89 = tpu.memref_slice %arg6[%mul3A_60, %dma_wait3A_88] : memref<200x128xi32, #tpu.memory_space<vmem>> -> memref<1x128xi32, #tpu.memory_space<vmem>>
      %dma_wait3A_90 = tpu.memref_squeeze %dma_wait3A_89 : memref<1x128xi32, #tpu.memory_space<vmem>> -> memref<128xi32, #tpu.memory_space<vmem>>
      %dma_wait3A_91 = arith.constant 0 : i32
      %dma_wait3A_92 = arith.constant 0 : i32
      %dma_wait3A_93 = tpu.memref_slice %arg5[%dma_wait3A_91, %dma_wait3A_92] : memref<1024x128xf32, #tpu.memory_space<vmem_shared>> -> memref<1024x128xf32, #tpu.memory_space<vmem_shared>>
      tpu.wait_indirect_dma semaphore(%arg8 : memref<!tpu.dma_semaphore, #tpu.memory_space<semaphore_mem>>) src(%dma_wait3A_93 : memref<1024x128xf32, #tpu.memory_space<vmem_shared>>) dst(%dma_wait3A_87 : memref<128x128xf32, #tpu.memory_space<vmem>>)
      %add3A_94 = arith.constant 1 : i32
      %add3A_95 = arith.addi %mul3A_60, %add3A_94 : i32
      %dma_wait3A_96 = arith.constant 128 : i32
      %dma_wait3A_97 = arith.constant 0 : i32
      %dma_wait3A_98 = tpu.memref_slice %arg7[%dma_wait3A_96, %dma_wait3A_97] : memref<512x128xf32, #tpu.memory_space<vmem>> -> memref<128x128xf32, #tpu.memory_space<vmem>>
      %dma_wait3A_99 = arith.constant 0 : i32
      %dma_wait3A_100 = tpu.memref_slice %arg6[%add3A_95, %dma_wait3A_99] : memref<200x128xi32, #tpu.memory_space<vmem>> -> memref<1x128xi32, #tpu.memory_space<vmem>>
      %dma_wait3A_101 = tpu.memref_squeeze %dma_wait3A_100 : memref<1x128xi32, #tpu.memory_space<vmem>> -> memref<128xi32, #tpu.memory_space<vmem>>
      %dma_wait3A_102 = arith.constant 0 : i32
      %dma_wait3A_103 = arith.constant 0 : i32
      %dma_wait3A_104 = tpu.memref_slice %arg5[%dma_wait3A_102, %dma_wait3A_103] : memref<1024x128xf32, #tpu.memory_space<vmem_shared>> -> memref<1024x128xf32, #tpu.memory_space<vmem_shared>>
      tpu.wait_indirect_dma semaphore(%arg9 : memref<!tpu.dma_semaphore, #tpu.memory_space<semaphore_mem>>) src(%dma_wait3A_104 : memref<1024x128xf32, #tpu.memory_space<vmem_shared>>) dst(%dma_wait3A_98 : memref<128x128xf32, #tpu.memory_space<vmem>>)
      %mul3A_105 = arith.constant 128 : i32
      %mul3A_106 = arith.muli %mul3A_60, %mul3A_105 : i32
      %add3A_107 = arith.addi %mul3A_2, %mul3A_106 : i32
      %dma_start3A_108 = arith.constant 0 : i32
      %dma_start3A_109 = arith.constant 0 : i32
      %dma_start3A_110 = tpu.memref_slice %arg7[%dma_start3A_108, %dma_start3A_109] : memref<512x128xf32, #tpu.memory_space<vmem>> -> memref<128x128xf32, #tpu.memory_space<vmem>>
      %dma_start3A_111 = arith.constant 0 : i32
      %dma_start3A_112 = tpu.memref_slice %arg4[%add3A_107, %dma_start3A_111] : memref<819200x128xf32, #tpu.memory_space<hbm>> -> memref<128x128xf32, #tpu.memory_space<hbm>>
      %dma_start3A_113 = arith.constant 0 : i32
      %dma_start3A_114 = tpu.memref_slice %arg4[%add3A_107, %dma_start3A_113] : memref<819200x128xf32, #tpu.memory_space<hbm>> -> memref<128x128xf32, #tpu.memory_space<hbm>>
      %dma_start3A_115 = arith.constant 0 : i32
      %dma_start3A_116 = arith.constant 0 : i32
      %dma_start3A_117 = tpu.memref_slice %arg7[%dma_start3A_115, %dma_start3A_116] : memref<512x128xf32, #tpu.memory_space<vmem>> -> memref<128x128xf32, #tpu.memory_space<vmem>>
      tpu.enqueue_dma source(%dma_start3A_117 : memref<128x128xf32, #tpu.memory_space<vmem>>) target(%dma_start3A_114 : memref<128x128xf32, #tpu.memory_space<hbm>>) target_semaphore(%arg12 : memref<!tpu.dma_semaphore, #tpu.memory_space<semaphore_mem>>)
      %add3A_118 = arith.constant 1 : i32
      %add3A_119 = arith.addi %mul3A_60, %add3A_118 : i32
      %mul3A_120 = arith.constant 128 : i32
      %mul3A_121 = arith.muli %add3A_119, %mul3A_120 : i32
      %add3A_122 = arith.addi %mul3A_2, %mul3A_121 : i32
      %dma_start3A_123 = arith.constant 128 : i32
      %dma_start3A_124 = arith.constant 0 : i32
      %dma_start3A_125 = tpu.memref_slice %arg7[%dma_start3A_123, %dma_start3A_124] : memref<512x128xf32, #tpu.memory_space<vmem>> -> memref<128x128xf32, #tpu.memory_space<vmem>>
      %dma_start3A_126 = arith.constant 0 : i32
      %dma_start3A_127 = tpu.memref_slice %arg4[%add3A_122, %dma_start3A_126] : memref<819200x128xf32, #tpu.memory_space<hbm>> -> memref<128x128xf32, #tpu.memory_space<hbm>>
      %dma_start3A_128 = arith.constant 0 : i32
      %dma_start3A_129 = tpu.memref_slice %arg4[%add3A_122, %dma_start3A_128] : memref<819200x128xf32, #tpu.memory_space<hbm>> -> memref<128x128xf32, #tpu.memory_space<hbm>>
      %dma_start3A_130 = arith.constant 128 : i32
      %dma_start3A_131 = arith.constant 0 : i32
      %dma_start3A_132 = tpu.memref_slice %arg7[%dma_start3A_130, %dma_start3A_131] : memref<512x128xf32, #tpu.memory_space<vmem>> -> memref<128x128xf32, #tpu.memory_space<vmem>>
      tpu.enqueue_dma source(%dma_start3A_132 : memref<128x128xf32, #tpu.memory_space<vmem>>) target(%dma_start3A_129 : memref<128x128xf32, #tpu.memory_space<hbm>>) target_semaphore(%arg13 : memref<!tpu.dma_semaphore, #tpu.memory_space<semaphore_mem>>)
      %mul3A_133 = arith.constant 128 : i32
      %mul3A_134 = arith.muli %mul3A_60, %mul3A_133 : i32
      %add3A_135 = arith.addi %mul3A_2, %mul3A_134 : i32
      %dma_wait3A_136 = arith.constant 0 : i32
      %dma_wait3A_137 = arith.constant 0 : i32
      %dma_wait3A_138 = tpu.memref_slice %arg7[%dma_wait3A_136, %dma_wait3A_137] : memref<512x128xf32, #tpu.memory_space<vmem>> -> memref<128x128xf32, #tpu.memory_space<vmem>>
      %dma_wait3A_139 = arith.constant 0 : i32
      %dma_wait3A_140 = tpu.memref_slice %arg4[%add3A_135, %dma_wait3A_139] : memref<819200x128xf32, #tpu.memory_space<hbm>> -> memref<128x128xf32, #tpu.memory_space<hbm>>
      %dma_wait3A_141 = arith.constant 0 : i32
      %dma_wait3A_142 = tpu.memref_slice %arg4[%add3A_135, %dma_wait3A_141] : memref<819200x128xf32, #tpu.memory_space<hbm>> -> memref<128x128xf32, #tpu.memory_space<hbm>>
      %dma_wait3A_143 = arith.constant 0 : i32
      %dma_wait3A_144 = arith.constant 0 : i32
      %dma_wait3A_145 = tpu.memref_slice %arg7[%dma_wait3A_143, %dma_wait3A_144] : memref<512x128xf32, #tpu.memory_space<vmem>> -> memref<128x128xf32, #tpu.memory_space<vmem>>
      tpu.wait_dma2 semaphore(%arg12 : memref<!tpu.dma_semaphore, #tpu.memory_space<semaphore_mem>>) src(%dma_wait3A_145 : memref<128x128xf32, #tpu.memory_space<vmem>>) dst(%dma_wait3A_142 : memref<128x128xf32, #tpu.memory_space<hbm>>)
      %add3A_146 = arith.constant 1 : i32
      %add3A_147 = arith.addi %mul3A_60, %add3A_146 : i32
      %mul3A_148 = arith.constant 128 : i32
      %mul3A_149 = arith.muli %add3A_147, %mul3A_148 : i32
      %add3A_150 = arith.addi %mul3A_2, %mul3A_149 : i32
      %dma_wait3A_151 = arith.constant 128 : i32
      %dma_wait3A_152 = arith.constant 0 : i32
      %dma_wait3A_153 = tpu.memref_slice %arg7[%dma_wait3A_151, %dma_wait3A_152] : memref<512x128xf32, #tpu.memory_space<vmem>> -> memref<128x128xf32, #tpu.memory_space<vmem>>
      %dma_wait3A_154 = arith.constant 0 : i32
      %dma_wait3A_155 = tpu.memref_slice %arg4[%add3A_150, %dma_wait3A_154] : memref<819200x128xf32, #tpu.memory_space<hbm>> -> memref<128x128xf32, #tpu.memory_space<hbm>>
      %dma_wait3A_156 = arith.constant 0 : i32
      %dma_wait3A_157 = tpu.memref_slice %arg4[%add3A_150, %dma_wait3A_156] : memref<819200x128xf32, #tpu.memory_space<hbm>> -> memref<128x128xf32, #tpu.memory_space<hbm>>
      %dma_wait3A_158 = arith.constant 128 : i32
      %dma_wait3A_159 = arith.constant 0 : i32
      %dma_wait3A_160 = tpu.memref_slice %arg7[%dma_wait3A_158, %dma_wait3A_159] : memref<512x128xf32, #tpu.memory_space<vmem>> -> memref<128x128xf32, #tpu.memory_space<vmem>>
      tpu.wait_dma2 semaphore(%arg13 : memref<!tpu.dma_semaphore, #tpu.memory_space<semaphore_mem>>) src(%dma_wait3A_160 : memref<128x128xf32, #tpu.memory_space<vmem>>) dst(%dma_wait3A_157 : memref<128x128xf32, #tpu.memory_space<hbm>>)
      %add3A_161 = arith.constant 4 : i32
      %add3A_162 = arith.addi %mul3A_60, %add3A_161 : i32
      %lt3A = arith.constant 200 : i32
      %lt3A_163 = arith.cmpi slt, %add3A_162, %lt3A : i32
      %convert_element_type3A_164 = arith.extui %lt3A_163 : i1 to i32
      %cond3A_165 = arith.constant 0 : i32
      %cond3A_166 = arith.cmpi ne, %convert_element_type3A_164, %cond3A_165 : i32
      scf.if %cond3A_166 {
        %add3A_220 = arith.constant 4 : i32
        %add3A_221 = arith.addi %mul3A_60, %add3A_220 : i32
        %dma_start3A_222 = arith.constant 0 : i32
        %dma_start3A_223 = arith.constant 0 : i32
        %dma_start3A_224 = tpu.memref_slice %arg7[%dma_start3A_222, %dma_start3A_223] : memref<512x128xf32, #tpu.memory_space<vmem>> -> memref<128x128xf32, #tpu.memory_space<vmem>>
        %dma_start3A_225 = arith.constant 0 : i32
        %dma_start3A_226 = tpu.memref_slice %arg6[%add3A_221, %dma_start3A_225] : memref<200x128xi32, #tpu.memory_space<vmem>> -> memref<1x128xi32, #tpu.memory_space<vmem>>
        %dma_start3A_227 = tpu.memref_squeeze %dma_start3A_226 : memref<1x128xi32, #tpu.memory_space<vmem>> -> memref<128xi32, #tpu.memory_space<vmem>>
        %dma_start3A_228 = arith.constant 0 : i32
        %dma_start3A_229 = arith.constant 0 : i32
        %dma_start3A_230 = tpu.memref_slice %arg5[%dma_start3A_228, %dma_start3A_229] : memref<1024x128xf32, #tpu.memory_space<vmem_shared>> -> memref<1024x128xf32, #tpu.memory_space<vmem_shared>>
        tpu.enqueue_indirect_dma source(%dma_start3A_230 : memref<1024x128xf32, #tpu.memory_space<vmem_shared>>) target(%dma_start3A_224 : memref<128x128xf32, #tpu.memory_space<vmem>>) offsets(%dma_start3A_227 : memref<128xi32, #tpu.memory_space<vmem>>) semaphore(%arg8 : memref<!tpu.dma_semaphore, #tpu.memory_space<semaphore_mem>>)
        %add3A_231 = arith.constant 5 : i32
        %add3A_232 = arith.addi %mul3A_60, %add3A_231 : i32
        %dma_start3A_233 = arith.constant 128 : i32
        %dma_start3A_234 = arith.constant 0 : i32
        %dma_start3A_235 = tpu.memref_slice %arg7[%dma_start3A_233, %dma_start3A_234] : memref<512x128xf32, #tpu.memory_space<vmem>> -> memref<128x128xf32, #tpu.memory_space<vmem>>
        %dma_start3A_236 = arith.constant 0 : i32
        %dma_start3A_237 = tpu.memref_slice %arg6[%add3A_232, %dma_start3A_236] : memref<200x128xi32, #tpu.memory_space<vmem>> -> memref<1x128xi32, #tpu.memory_space<vmem>>
        %dma_start3A_238 = tpu.memref_squeeze %dma_start3A_237 : memref<1x128xi32, #tpu.memory_space<vmem>> -> memref<128xi32, #tpu.memory_space<vmem>>
        %dma_start3A_239 = arith.constant 0 : i32
        %dma_start3A_240 = arith.constant 0 : i32
        %dma_start3A_241 = tpu.memref_slice %arg5[%dma_start3A_239, %dma_start3A_240] : memref<1024x128xf32, #tpu.memory_space<vmem_shared>> -> memref<1024x128xf32, #tpu.memory_space<vmem_shared>>
        tpu.enqueue_indirect_dma source(%dma_start3A_241 : memref<1024x128xf32, #tpu.memory_space<vmem_shared>>) target(%dma_start3A_235 : memref<128x128xf32, #tpu.memory_space<vmem>>) offsets(%dma_start3A_238 : memref<128xi32, #tpu.memory_space<vmem>>) semaphore(%arg9 : memref<!tpu.dma_semaphore, #tpu.memory_space<semaphore_mem>>)
      } else {
      }
      %add3A_167 = arith.constant 2 : i32
      %add3A_168 = arith.addi %mul3A_60, %add3A_167 : i32
      %dma_wait3A_169 = arith.constant 256 : i32
      %dma_wait3A_170 = arith.constant 0 : i32
      %dma_wait3A_171 = tpu.memref_slice %arg7[%dma_wait3A_169, %dma_wait3A_170] : memref<512x128xf32, #tpu.memory_space<vmem>> -> memref<128x128xf32, #tpu.memory_space<vmem>>
      %dma_wait3A_172 = arith.constant 0 : i32
      %dma_wait3A_173 = tpu.memref_slice %arg6[%add3A_168, %dma_wait3A_172] : memref<200x128xi32, #tpu.memory_space<vmem>> -> memref<1x128xi32, #tpu.memory_space<vmem>>
      %dma_wait3A_174 = tpu.memref_squeeze %dma_wait3A_173 : memref<1x128xi32, #tpu.memory_space<vmem>> -> memref<128xi32, #tpu.memory_space<vmem>>
      %dma_wait3A_175 = arith.constant 0 : i32
      %dma_wait3A_176 = arith.constant 0 : i32
      %dma_wait3A_177 = tpu.memref_slice %arg5[%dma_wait3A_175, %dma_wait3A_176] : memref<1024x128xf32, #tpu.memory_space<vmem_shared>> -> memref<1024x128xf32, #tpu.memory_space<vmem_shared>>
      tpu.wait_indirect_dma semaphore(%arg10 : memref<!tpu.dma_semaphore, #tpu.memory_space<semaphore_mem>>) src(%dma_wait3A_177 : memref<1024x128xf32, #tpu.memory_space<vmem_shared>>) dst(%dma_wait3A_171 : memref<128x128xf32, #tpu.memory_space<vmem>>)
      %add3A_178 = arith.constant 3 : i32
      %add3A_179 = arith.addi %mul3A_60, %add3A_178 : i32
      %dma_wait3A_180 = arith.constant 384 : i32
      %dma_wait3A_181 = arith.constant 0 : i32
      %dma_wait3A_182 = tpu.memref_slice %arg7[%dma_wait3A_180, %dma_wait3A_181] : memref<512x128xf32, #tpu.memory_space<vmem>> -> memref<128x128xf32, #tpu.memory_space<vmem>>
      %dma_wait3A_183 = arith.constant 0 : i32
      %dma_wait3A_184 = tpu.memref_slice %arg6[%add3A_179, %dma_wait3A_183] : memref<200x128xi32, #tpu.memory_space<vmem>> -> memref<1x128xi32, #tpu.memory_space<vmem>>
      %dma_wait3A_185 = tpu.memref_squeeze %dma_wait3A_184 : memref<1x128xi32, #tpu.memory_space<vmem>> -> memref<128xi32, #tpu.memory_space<vmem>>
      %dma_wait3A_186 = arith.constant 0 : i32
      %dma_wait3A_187 = arith.constant 0 : i32
      %dma_wait3A_188 = tpu.memref_slice %arg5[%dma_wait3A_186, %dma_wait3A_187] : memref<1024x128xf32, #tpu.memory_space<vmem_shared>> -> memref<1024x128xf32, #tpu.memory_space<vmem_shared>>
      tpu.wait_indirect_dma semaphore(%arg11 : memref<!tpu.dma_semaphore, #tpu.memory_space<semaphore_mem>>) src(%dma_wait3A_188 : memref<1024x128xf32, #tpu.memory_space<vmem_shared>>) dst(%dma_wait3A_182 : memref<128x128xf32, #tpu.memory_space<vmem>>)
      %add3A_189 = arith.constant 2 : i32
      %add3A_190 = arith.addi %mul3A_60, %add3A_189 : i32
      %mul3A_191 = arith.constant 128 : i32
      %mul3A_192 = arith.muli %add3A_190, %mul3A_191 : i32
      %add3A_193 = arith.addi %mul3A_2, %mul3A_192 : i32
      %dma_start3A_194 = arith.constant 256 : i32
      %dma_start3A_195 = arith.constant 0 : i32
      %dma_start3A_196 = tpu.memref_slice %arg7[%dma_start3A_194, %dma_start3A_195] : memref<512x128xf32, #tpu.memory_space<vmem>> -> memref<128x128xf32, #tpu.memory_space<vmem>>
      %dma_start3A_197 = arith.constant 0 : i32
      %dma_start3A_198 = tpu.memref_slice %arg4[%add3A_193, %dma_start3A_197] : memref<819200x128xf32, #tpu.memory_space<hbm>> -> memref<128x128xf32, #tpu.memory_space<hbm>>
      %dma_start3A_199 = arith.constant 0 : i32
      %dma_start3A_200 = tpu.memref_slice %arg4[%add3A_193, %dma_start3A_199] : memref<819200x128xf32, #tpu.memory_space<hbm>> -> memref<128x128xf32, #tpu.memory_space<hbm>>
      %dma_start3A_201 = arith.constant 256 : i32
      %dma_start3A_202 = arith.constant 0 : i32
      %dma_start3A_203 = tpu.memref_slice %arg7[%dma_start3A_201, %dma_start3A_202] : memref<512x128xf32, #tpu.memory_space<vmem>> -> memref<128x128xf32, #tpu.memory_space<vmem>>
      tpu.enqueue_dma source(%dma_start3A_203 : memref<128x128xf32, #tpu.memory_space<vmem>>) target(%dma_start3A_200 : memref<128x128xf32, #tpu.memory_space<hbm>>) target_semaphore(%arg14 : memref<!tpu.dma_semaphore, #tpu.memory_space<semaphore_mem>>)
      %add3A_204 = arith.constant 3 : i32
      %add3A_205 = arith.addi %mul3A_60, %add3A_204 : i32
      %mul3A_206 = arith.constant 128 : i32
      %mul3A_207 = arith.muli %add3A_205, %mul3A_206 : i32
      %add3A_208 = arith.addi %mul3A_2, %mul3A_207 : i32
      %dma_start3A_209 = arith.constant 384 : i32
      %dma_start3A_210 = arith.constant 0 : i32
      %dma_start3A_211 = tpu.memref_slice %arg7[%dma_start3A_209, %dma_start3A_210] : memref<512x128xf32, #tpu.memory_space<vmem>> -> memref<128x128xf32, #tpu.memory_space<vmem>>
      %dma_start3A_212 = arith.constant 0 : i32
      %dma_start3A_213 = tpu.memref_slice %arg4[%add3A_208, %dma_start3A_212] : memref<819200x128xf32, #tpu.memory_space<hbm>> -> memref<128x128xf32, #tpu.memory_space<hbm>>
      %dma_start3A_214 = arith.constant 0 : i32
      %dma_start3A_215 = tpu.memref_slice %arg4[%add3A_208, %dma_start3A_214] : memref<819200x128xf32, #tpu.memory_space<hbm>> -> memref<128x128xf32, #tpu.memory_space<hbm>>
      %dma_start3A_216 = arith.constant 384 : i32
      %dma_start3A_217 = arith.constant 0 : i32
      %dma_start3A_218 = tpu.memref_slice %arg7[%dma_start3A_216, %dma_start3A_217] : memref<512x128xf32, #tpu.memory_space<vmem>> -> memref<128x128xf32, #tpu.memory_space<vmem>>
      tpu.enqueue_dma source(%dma_start3A_218 : memref<128x128xf32, #tpu.memory_space<vmem>>) target(%dma_start3A_215 : memref<128x128xf32, #tpu.memory_space<hbm>>) target_semaphore(%arg15 : memref<!tpu.dma_semaphore, #tpu.memory_space<semaphore_mem>>)
      %scan3A_219 = arith.constant 0 : i32
      scf.yield %scan3A_219 : i32
    }
    %scan3A_33 = arith.constant 50 : i32
    %add3A_34 = arith.constant 25344 : i32
    %add3A_35 = arith.addi %mul3A_2, %add3A_34 : i32
    %dma_wait3A = arith.constant 256 : i32
    %dma_wait3A_36 = arith.constant 0 : i32
    %dma_wait3A_37 = tpu.memref_slice %arg7[%dma_wait3A, %dma_wait3A_36] : memref<512x128xf32, #tpu.memory_space<vmem>> -> memref<128x128xf32, #tpu.memory_space<vmem>>
    %dma_wait3A_38 = arith.constant 0 : i32
    %dma_wait3A_39 = tpu.memref_slice %arg4[%add3A_35, %dma_wait3A_38] : memref<819200x128xf32, #tpu.memory_space<hbm>> -> memref<128x128xf32, #tpu.memory_space<hbm>>
    %dma_wait3A_40 = arith.constant 0 : i32
    %dma_wait3A_41 = tpu.memref_slice %arg4[%add3A_35, %dma_wait3A_40] : memref<819200x128xf32, #tpu.memory_space<hbm>> -> memref<128x128xf32, #tpu.memory_space<hbm>>
    %dma_wait3A_42 = arith.constant 256 : i32
    %dma_wait3A_43 = arith.constant 0 : i32
    %dma_wait3A_44 = tpu.memref_slice %arg7[%dma_wait3A_42, %dma_wait3A_43] : memref<512x128xf32, #tpu.memory_space<vmem>> -> memref<128x128xf32, #tpu.memory_space<vmem>>
    tpu.wait_dma2 semaphore(%arg14 : memref<!tpu.dma_semaphore, #tpu.memory_space<semaphore_mem>>) src(%dma_wait3A_44 : memref<128x128xf32, #tpu.memory_space<vmem>>) dst(%dma_wait3A_41 : memref<128x128xf32, #tpu.memory_space<hbm>>)
    %add3A_45 = arith.constant 25472 : i32
    %add3A_46 = arith.addi %mul3A_2, %add3A_45 : i32
    %dma_wait3A_47 = arith.constant 384 : i32
    %dma_wait3A_48 = arith.constant 0 : i32
    %dma_wait3A_49 = tpu.memref_slice %arg7[%dma_wait3A_47, %dma_wait3A_48] : memref<512x128xf32, #tpu.memory_space<vmem>> -> memref<128x128xf32, #tpu.memory_space<vmem>>
    %dma_wait3A_50 = arith.constant 0 : i32
    %dma_wait3A_51 = tpu.memref_slice %arg4[%add3A_46, %dma_wait3A_50] : memref<819200x128xf32, #tpu.memory_space<hbm>> -> memref<128x128xf32, #tpu.memory_space<hbm>>
    %dma_wait3A_52 = arith.constant 0 : i32
    %dma_wait3A_53 = tpu.memref_slice %arg4[%add3A_46, %dma_wait3A_52] : memref<819200x128xf32, #tpu.memory_space<hbm>> -> memref<128x128xf32, #tpu.memory_space<hbm>>
    %dma_wait3A_54 = arith.constant 384 : i32
    %dma_wait3A_55 = arith.constant 0 : i32
    %dma_wait3A_56 = tpu.memref_slice %arg7[%dma_wait3A_54, %dma_wait3A_55] : memref<512x128xf32, #tpu.memory_space<vmem>> -> memref<128x128xf32, #tpu.memory_space<vmem>>
    tpu.wait_dma2 semaphore(%arg15 : memref<!tpu.dma_semaphore, #tpu.memory_space<semaphore_mem>>) src(%dma_wait3A_56 : memref<128x128xf32, #tpu.memory_space<vmem>>) dst(%dma_wait3A_53 : memref<128x128xf32, #tpu.memory_space<hbm>>)
    return
  }
}

</mosaic_0001>

<sc_bundles>
// kernel: kernel.3.cloned.1.call-start
scs
__scs_entry_jumppad:
0x0: {  	(pc) =	sbr.rel $0x88, $3  }
0x1: {  	(tag) =	ssettag $0x0;
	lr =	simm.s32 $0x1  }
0x2: {  	[smem:$0x3F9F] =	sst lr;
	_ =	strace $0xD0000000  }
0x3: {  	_ = 	snop  }
0x4: {  	_ = 	snop  }
0x5: {  	_ = 	snop  }
0x6: {  	_ = 	snop  }
0x7: {  	_ = 	snop  }
__scs_overlays_trampoline_lowered:
0x8: {  	[smem:$0x3FAE] =	sst s0  }
0x9: {  	[smem:$0x3FAF] =	sst s1  }
0xa: {  	[smem:$0x3FB0] =	sst s2  }
0xb: {  	[smem:$0x3FB1] =	sst s3  }
0xc: {  	[smem:$0x3FB2] =	sst s4  }
0xd: {  	[smem:$0x3FB3] =	sst s5  }
0xe: {  	[smem:$0x3FB4] =	sst s6  }
0xf: {  	[smem:$0x3FB5] =	sst s7  }
0x10: {  	[smem:$0x3FB6] =	sst s8  }
0x11: {  	[smem:$0x3FB7] =	sst s9;
	s0 =	simm.s32 @!p0 $0x0  }
0x12: {  	s1 =	sld [smem:$0x3F9D];
	s0 =	simm.s32 @p0 $0x1  }
0x13: {  	[smem:$0x3FB8] =	sst s0;
	s0 =	simm.s32 @!p1 $0x0  }
0x14: {  	s2 =	sld [smem:$0x3F9C];
	s0 =	simm.s32 @p1 $0x1  }
0x15: {  	[smem:$0x3FB9] =	sst s0;
	s0 =	simm.s32 @!p2 $0x0  }
0x16: {  	s3 =	sld [smem:$0x3FDB];
	s0 =	simm.s32 @p2 $0x1  }
0x17: {  	s4 =	simm.s32 $0x1BF5;
	[smem:$0x3FBB] =	sst s0  }
0x18: {  	s0 =	sld [smem:$0x3F9E];
	_ =	swait.ge [sflag:s4], $0x0  }
0x19: {  	s7 =	sld [smem:$0x3F9F]  }
0x1a: {  	s8 =	sadd.s32 $0xFFFFE003, lr  }
0x1b: {  	s9 =	sadd.s32 $0xFFFFFEF7, lr;
	s5 =	simm.s32 $0xFFFFFFFF;
	p2 =	slt.u32 s8, $0xFFFFF086  }
0x1c: {  	p1 =	slt.u32 s9, $0xF7A;
	s5 =	simm.s32 @!p2 $0x0  }
0x1d: {  	s5 =	simm.s32 @p1 $0x1;
	p0 =	seq.s32 s7, s2  }
0x1e: {  	s7 =	smul.u32 @!p0 $0xF7A, s2;
	p2 =	seq.s32 @!p0 s5, $0x0  }
0x1f: {  	s9 =	smul.u32 $0xF7A, s1;
	s8 =	simm.s32 @!p0 $0x1BF5;
	p2 =	por !p2, p0  }
0x20: {  	[sflag:s8] =	ssyncset.s32 @!p0 $0xFFFFF086;
	s6 =	sadd.s32 @!p0 s3, s7;
	s7 =	simm.s32 @!p0 $0x108  }
0x21: {  	s3 =	sadd.s32 s3, s9;
	s6 =	sadd.s32 @!p0 $0x88, s6;
	s7 =	simm.s32 @p2 $0x1082  }
0x22: {  	[simem:s7], [sflag:s8] =	dma.local @!p0 [hbm:s6], $0xF7A  }
0x23: {  	s9 =	sor.u32 $0xD0000000, s2;
	s6 =	simm.s32 $0x108;
	_ =	swait.ge @!p0 [sflag:s8], $0x0  }
0x24: {  	s3 =	sadd.s32 $0x88, s3;
	s6 =	simm.s32 @!p1 $0x1082;
	[sflag:s4] =	ssyncset.s32 $0xFFFFF086  }
0x25: {  	[simem:s6], [sflag:s4] =	dma.local [hbm:s3], $0xF7A  }
0x26: {  	[smem:$0x3F9F] =	sst s1;
	(tag) =	ssettag s2;
	_ =	strace s9  }
0x27: {  	s1 =	sld [smem:$0x3FAF]  }
0x28: {  	s2 =	sld [smem:$0x3FB0]  }
0x29: {  	s4 =	sld [smem:$0x3FB2]  }
0x2a: {  	p0 =	seq.s32 s5, $0x0;
	s5 =	sld [smem:$0x3FB3]  }
0x2b: {  	s6 =	sld [smem:$0x3FB4]  }
0x2c: {  	s7 =	sld [smem:$0x3FB5]  }
0x2d: {  	s3 =	simm.s32 $0x108;
	s8 =	sld [smem:$0x3FB6]  }
0x2e: {  	s3 =	simm.s32 @!p0 $0x1082;
	s9 =	sld [smem:$0x3FB7]  }
0x2f: {  	lr =	sadd.s32 s0, s3;
	s0 =	sld [smem:$0x3FAE]  }
0x30: {  	s3 =	sld [smem:$0x3FB1]  }
0x31: {  	[smem:$0x3FBA] =	sst s10  }
0x32: {  	s10 =	sld [smem:$0x3FB8];
	_ =	sdelay $0x3  }
0x33: {  	p0 =	seq.s32 s10, $0x1;
	s10 =	sld [smem:$0x3FBA];
	_ =	sdelay $0x3  }
0x34: {  	[smem:$0x3FBA] =	sst s10  }
0x35: {  	s10 =	sld [smem:$0x3FB9];
	_ =	sdelay $0x3  }
0x36: {  	p1 =	seq.s32 s10, $0x1;
	s10 =	sld [smem:$0x3FBA];
	_ =	sdelay $0x3  }
0x37: {  	[smem:$0x3FBA] =	sst s10  }
0x38: {  	s10 =	sld [smem:$0x3FBB]  }
0x39: {  	_ = 	snop;
	(pc) =	sbr.ind lr, $3  }
0x3a: {  	_ = 	snop  }
0x3b: {  	_ = 	snop  }
0x3c: {  	p2 =	seq.s32 s10, $0x1;
	s10 =	sld [smem:$0x3FBA]  }
0x3d: {  	_ =	shalt  }
0x3e: {  	_ =	shalt  }
0x3f: {  	_ =	shalt  }
0x40: {  	_ =	shalt  }
0x41: {  	_ =	shalt  }
0x42: {  	_ =	shalt  }
0x43: {  	_ =	shalt  }
0x44: {  	_ =	shalt  }
0x45: {  	_ =	shalt  }
0x46: {  	_ =	shalt  }
0x47: {  	_ =	shalt  }
0x48: {  	_ =	shalt  }
0x49: {  	_ =	shalt  }
0x4a: {  	_ =	shalt  }
0x4b: {  	_ =	shalt  }
0x4c: {  	_ =	shalt  }
0x4d: {  	_ =	shalt  }
0x4e: {  	_ =	shalt  }
0x4f: {  	_ =	shalt  }
0x50: {  	_ =	shalt  }
0x51: {  	_ =	shalt  }
0x52: {  	_ =	shalt  }
0x53: {  	_ =	shalt  }
0x54: {  	_ =	shalt  }
0x55: {  	_ =	shalt  }
0x56: {  	_ =	shalt  }
0x57: {  	_ =	shalt  }
0x58: {  	_ =	shalt  }
0x59: {  	_ =	shalt  }
0x5a: {  	_ =	shalt  }
0x5b: {  	_ =	shalt  }
0x5c: {  	_ =	shalt  }
0x5d: {  	_ =	shalt  }
0x5e: {  	_ =	shalt  }
0x5f: {  	_ =	shalt  }
0x60: {  	_ =	shalt  }
0x61: {  	_ =	shalt  }
0x62: {  	_ =	shalt  }
0x63: {  	_ =	shalt  }
0x64: {  	_ =	shalt  }
0x65: {  	_ =	shalt  }
0x66: {  	_ =	shalt  }
0x67: {  	_ =	shalt  }
0x68: {  	_ =	shalt  }
0x69: {  	_ =	shalt  }
0x6a: {  	_ =	shalt  }
0x6b: {  	_ =	shalt  }
0x6c: {  	_ =	shalt  }
0x6d: {  	_ =	shalt  }
0x6e: {  	_ =	shalt  }
0x6f: {  	_ =	shalt  }
0x70: {  	_ =	shalt  }
0x71: {  	_ =	shalt  }
0x72: {  	_ =	shalt  }
0x73: {  	_ =	shalt  }
0x74: {  	_ =	shalt  }
0x75: {  	_ =	shalt  }
0x76: {  	_ =	shalt  }
0x77: {  	_ =	shalt  }
0x78: {  	_ =	shalt  }
0x79: {  	_ =	shalt  }
0x7a: {  	_ =	shalt  }
0x7b: {  	_ =	shalt  }
0x7c: {  	_ =	shalt  }
0x7d: {  	_ =	shalt  }
0x7e: {  	_ =	shalt  }
0x7f: {  	_ =	shalt  }
0x80: {  	_ =	shalt  }
0x81: {  	_ =	shalt  }
0x82: {  	_ =	shalt  }
0x83: {  	_ =	shalt  }
0x84: {  	_ =	shalt  }
0x85: {  	_ =	shalt  }
0x86: {  	_ =	shalt  }
0x87: {  	_ =	shalt  }
.Lfunc_end0:
.L_simem_size_0:
called_computation_lowered:
.L_overlay_start_0:
0x88: {  	s2 =	sld [smem:$0x3FD9]  }
0x89: {  	s3 =	sld [smem:$0x3FFE];
	_ =	sdelay $0x1  }
0x8a: {  	s1 =	srdreg.scid  }
0x8b: {  	s0 =	sand.u32 $0x1, s1  }
0x8c: {  	s17 =	sshll.u32 s0, $0xA;
	s2 =	sadd.s32 s3, s2  }
0x8d: {  	s2 =	sadd.s32 s2, s17  }
0x8e: {  	[smem:$0x3FC6] =	sst s2  }
0x8f: {  	_ = 	snop  }
0x90: {  	s2 =	sld [smem:$0x3FD0];
	(tm) =	ssettm $0x1  }
0x91: {  	s18 =	sld [smem:$0x3FFB];
	_ =	sdelay $0x3  }
0x92: {  	_ =	strace s18  }
0x93: {  	s3 =	sld [smem:$0x3FFC];
	_ =	sdelay $0x3  }
0x94: {  	_ =	strace s3  }
0x95: {  	s3 =	sld [smem:$0x3FFD];
	_ =	sdelay $0x3  }
0x96: {  	_ =	strace s3  }
0x97: {  	_ =	strace $0x8FFFFFFF  }
0x98: {  	s19 =	sld [smem:$0x3FDB];
	_ =	sdelay $0x1  }
0x99: {  	s4 =	simm.s32 $_scs_section_size  }
0x9a: {  	s5 =	simm.s32 $_size__tile_overlayer_lowered;
	s6 =	simm.s32 $_tile_overlayer_lowered  }
0x9b: {  	s22 =	simm.s32 $0x1BFF;
	s21 =	sshll.u32 s6, $0x1;
	s3 =	sadd.s32 s4, s19  }
0x9c: {  	s7 =	simm.s32 $0x0;
	s20 =	sshll.u32 s5, $0x1;
	s5 =	sadd.s32 s21, s3  }
0x9d: {  	[timem:s7], [sflag:s22] =	dma.local [hbm:s5], s20  }
0x9e: {  	_ =	swait.ge [sflag:s22], s20  }
0x9f: {  	s4 =	ssub.s32 $0x0, s20;
	[sflag:s22] =	ssyncset.done $0x0  }
0xa0: {  	[sflag:s22] =	ssyncadd.s32 s4;
	_ =	sdelay $0x1  }
0xa1: {  	s23 =	simm.s32 $0x1B8B  }
0xa2: {  	_ =	swait.ge [sflag:s23], $0x1  }
0xa3: {  	[sflag:s23] =	ssyncset.done $0x0  }
0xa4: {  	s25 =	simm.s32 $0x1B8E;
	s24 =	sld [smem:$0x3FFE];
	[sflag:s23] =	ssyncadd.s32 $0xFFFFFFFF  }
0xa5: {  	s26 =	simm.s32 $execute0_lowered;
	[smem:$0x3FD2] =	sst s25  }
0xa6: {  	s5 =	sshll.u32 s26, $0x1;
	_ =	strace $0x80000046;
	[dreg:$0x1] =	wrdreg $0xFFFFFFFF  }
0xa7: {  	s28 =	simm.s32 $_size_execute0_lowered;
	s3 =	sadd.s32 s3, s5;
	[dreg:$0x0] =	wrdreg $0x0  }
0xa8: {  	s5 =	sshll.u32 s28, $0x1;
	[dreg:$0x2] =	wrdreg s3  }
0xa9: {  	[dreg:$0x3] =	wrdreg s5  }
0xaa: {  	[dreg:$0x4] =	wrdreg $0xC0  }
0xab: {  	_ =	task [dreg:s7], $0x5FFFF  }
0xac: {  	[dreg:$0x1] =	wrdreg $0xFFFFFFFF  }
0xad: {  	[dreg:$0x0] =	wrdreg $0x60  }
0xae: {  	[dreg:$0x2] =	wrdreg s24  }
0xaf: {  	[dreg:$0x3] =	wrdreg s2  }
0xb0: {  	[dreg:$0x4] =	wrdreg $0x0  }
0xb1: {  	[dreg:$0x5] =	wrdreg $0x9  }
0xb2: {  	_ =	task.clear_ibuf [dreg:s7], $0x6FFFF;
	_ =	strace $0x90000046  }
0xb3: {  	s29 =	simm.s32 $0x9;
	_ =	strace $0x80000048  }
0xb4: {  	_ =	swait.ge [sflag:s29], $0x1  }
0xb5: {  	[sflag:s29] =	ssyncadd.s32 $0xFFFFFFFF  }
0xb6: {  	_ =	strace $0x90000048  }
0xb7: {  	_ =	sfence  }
0xb8: {  	s30 =	sld [smem:$0x0];
	_ =	sdelay $0x2  }
0xb9: {  	s31 =	sshll.u32 s1, $0xD;
	s1 =	sshrl.u32 s1, $0x2  }
0xba: {  	s3 =	sand.u32 $0x4000, s31;
	s1 =	sadd.s32 s1, s30  }
0xbb: {  	s0 =	sor.u32 s3, s0;
	s1 =	sshll.u32 s1, $0x11  }
0xbc: {  	s0 =	sor.u32 s1, s0  }
0xbd: {  	s0 =	sadd.s32 $0x8F2B, s0  }
0xbe: {  	[sflag:s0] =	ssyncadd.remote.s32 $0x1  }
0xbf: {  	_ =	sfence.sel $0xFFFF  }
0xc0: {  	[dreg:$0x0] =	wrdreg $0xFFFFFFFF;
	(pc) =	sbr.abs _section_cstart, $3  }
0xc1: {  	[dreg:$0x1] =	wrdreg $0xFFFFFFFF  }
0xc2: {  	_ =	task.clear_ibuf [dreg:s7], $0x2FFFF;
	_ =	strace $0x9FFFFFFF  }
0xc3: {  	(tm) =	ssettm $0x7FFFFFFF  }
tec
execute0_lowered:
.L_overlay_start_1:
0x0: {  	(tag) =	ssettag $0x1  }
0x1: {  	s0 =	rddreg [dreg:$0x0];
	s1 =	srdreg.scid  }
0x2: {  	s13 =	stileid.u32;
	s4 =	rddreg [dreg:$0x1]  }
0x3: {  	s2 =	rddreg [dreg:$0x2];
	s29 =	simm.s32 $0x14400;
	s30 =	simm.s32 $0x1  }
0x4: {  	s31 =	simm.s32 $0x2;
	s28 =	simm.s32 $0x3;
	s22 =	smul.u32 $0x640000, s13  }
0x5: {  	s1 =	sand.u32 $0x1, s1;
	s3 =	sshll.u32 s13, $0x1;
	s26 =	smul.u32 $0xC8000, s13  }
0x6: {  	s8 =	sshll.u32 s13, $0xA;
	s10 =	sshll.u32 s13, $0xD;
	s23 =	smul.u32 $0x320000, s1  }
0x7: {  	s5 =	sor.u32 s1, s3;
	s7 =	ssub.s32 $0x2, s1;
	s1 =	smul.u32 $0x64000, s1  }
0x8: {  	s16 =	sshll.u32 s13, $0x6;
	s3 =	simm.s32 $0x0;
	s6 =	smul.u32 $0xC80, s5  }
0x9: {  	s10 =	sadd.s32 s10, s2;
	[smem:$0x7FF] =	sst s3;
	s17 =	smul.u32 $0x320000, s5  }
0xa: {  	s9 =	sshrl.u32 s7, $0x1;
	s19 =	smul.u32 $0x64000, s5;
	_ =	strace $0x80000047  }
0xb: {  	s7 =	ssub.s32 s7, s9;
	s5 =	sadd.s32 s23, s22;
	s22 =	simm.s32 $0x8400  }
0xc: {  	s23 =	simm.s32 $0x4;
	s6 =	sadd.s32 s6, s0;
	s0 =	sadd.s32 s8, s0  }
0xd: {  	s20 =	smax.u32 s7, $0x1;
	s21 =	sshrl.u32 s17, $0x3;
	s5 =	sor.u32 $0x10000, s5  }
0xe: {  	s0 =	sadd.s32 $0x19600, s0;
	s18 =	sadd.s32 $0x600, s6;
	[dreg:$0x7] =	wrdreg s20  }
0xf: {  	s8 =	sadd.s32 s4, s21;
	s5 =	sshrl.u32 s5, $0x3;
	s6 =	sadd.s32 s26, s4  }
0x10: {  	s20 =	simm.s32 $0x2000;
	s21 =	simm.s32 $0x80;
	[dreg:$0x4] =	wrdreg s0  }
0x11: {  	s26 =	simm.s32 $0x10400;
	s0 =	sor.u32 $0x1C09, s16;
	[dreg:$0x6] =	wrdreg s18  }
0x12: {  	s12 =	sadd.s32 $0x62000, s8;
	s16 =	sadd.s32 s5, s4;
	s17 =	sadd.s32 s1, s6  }
0x13: {  	s18 =	sshrl.u32 s10, $0x3;
	s1 =	simm.s32 $0x5;
	s5 =	simm.s32 $0x0  }
0x14: {  	[dreg:$0x5] =	wrdreg s0;
	s0 =	sadd.s32 s19, s4;
	s19 =	simm.s32 $0x9  }
0x15: {  	s4 =	simm.s32 $0x8;
	s24 =	sadd.s32 $0x800, s0;
	s25 =	sadd.s32 $0x1000, s0  }
0x16: {  	s11 =	sadd.s32 $0x1800, s0;
	s13 =	sadd.s32 $0x62800, s0;
	s14 =	sadd.s32 $0x63000, s0  }
0x17: {  	s15 =	sadd.s32 $0x63800, s0;
	s0 =	simm.s32 $0x6;
	[dreg:$0x8] =	wrdreg s24  }
0x18: {  	[dreg:$0x9] =	wrdreg s25;
	s24 =	simm.s32 $0xC400;
	s25 =	simm.s32 $0x7  }
.LBB2_1:
0x19: {  	s6 =	rddreg [dreg:$0x4]  }
0x1a: {  	s7 =	rddreg [dreg:$0x5]  }
0x1b: {  	[spmem:s18], [sflag:s7] =	dma.local [hbm:s6], $0x400  }
0x1c: {  	_ =	swait.ge [sflag:s19], $0x400  }
0x1d: {  	[sflag:s19] =	ssyncset.done $0x0  }
0x1e: {  	s9 =	rddreg [dreg:$0x6];
	[sflag:s19] =	ssyncadd.s32 $0xFFFFFC00  }
0x1f: {  	[tilespmem:s20], [sflag:$0x9] =	stream.linear.gather [hbm4b:s9+s3], $0x6400, $0x38;
	[tilespmem:$0x18400] =	vst v63  }
0x20: {  	_ =	swait.ge [sflag:s19], $0x6400  }
0x21: {  	[sflag:s19] =	ssyncset.done $0x0  }
0x22: {  	[sflag:s19] =	ssyncadd.s32 $0xFFFF9C00  }
0x23: {  	[bflag:$0x0] =	sbarrier.arrive $0xFFFF  }
0x24: {  	[tilespmem:s22], [sflag:$0x1] =	stream.indirect.gather [spmem:s2], $0x80, s20, s21, $0xb8;
	[tilespmem:$0x18400] =	vst v63  }
0x25: {  	s10 =	simm.s32 $0x2080  }
0x26: {  	[tilespmem:s24], [sflag:$0x2] =	stream.indirect.gather [spmem:s2], $0x80, s10, s21, $0xb8;
	[tilespmem:$0x18400] =	vst v63  }
0x27: {  	s7 =	simm.s32 $0x2100  }
0x28: {  	[tilespmem:s26], [sflag:$0x3] =	stream.indirect.gather [spmem:s2], $0x80, s7, s21, $0xb8;
	[tilespmem:$0x18400] =	vst v63  }
0x29: {  	s9 =	simm.s32 $0x2180  }
0x2a: {  	[tilespmem:s29], [sflag:$0x4] =	stream.indirect.gather [spmem:s2], $0x80, s9, s21, $0xb8;
	[tilespmem:$0x18400] =	vst v63  }
0x2b: {  	_ =	swait.ge [sflag:s30], $0x4000  }
0x2c: {  	[sflag:s30] =	ssyncset.done $0x0  }
0x2d: {  	[sflag:s30] =	ssyncadd.s32 $0xFFFFC000  }
0x2e: {  	_ =	swait.ge [sflag:s31], $0x4000  }
0x2f: {  	[sflag:s31] =	ssyncset.done $0x0  }
0x30: {  	[sflag:s31] =	ssyncadd.s32 $0xFFFFC000  }
0x31: {  	[hbm4b:s8+s3] =	stream.linear.scatter [tilespmem:s22], [sflag:$0x5], $0x4000, $0x38;
	[tilespmem:$0x18400] =	vst v63  }
0x32: {  	s10 =	rddreg [dreg:$0x8]  }
0x33: {  	[hbm4b:s10+s3] =	stream.linear.scatter [tilespmem:s24], [sflag:$0x6], $0x4000, $0x38;
	[tilespmem:$0x18400] =	vst v63  }
0x34: {  	_ =	swait.ge [sflag:s1], $0x4000  }
0x35: {  	[sflag:s1] =	ssyncset.done $0x0  }
0x36: {  	[sflag:s1] =	ssyncadd.s32 $0xFFFFC000  }
0x37: {  	_ =	swait.ge [sflag:s0], $0x4000  }
0x38: {  	[sflag:s0] =	ssyncset.done $0x0  }
0x39: {  	s7 =	simm.s32 $0x2200;
	[sflag:s0] =	ssyncadd.s32 $0xFFFFC000  }
0x3a: {  	[tilespmem:s22], [sflag:$0x1] =	stream.indirect.gather [spmem:s2], $0x80, s7, s21, $0xb8;
	[tilespmem:$0x18400] =	vst v63  }
0x3b: {  	s9 =	simm.s32 $0x2280  }
0x3c: {  	[tilespmem:s24], [sflag:$0x2] =	stream.indirect.gather [spmem:s2], $0x80, s9, s21, $0xb8;
	[tilespmem:$0x18400] =	vst v63  }
0x3d: {  	_ =	swait.ge [sflag:s28], $0x4000  }
0x3e: {  	[sflag:s28] =	ssyncset.done $0x0  }
0x3f: {  	[sflag:s28] =	ssyncadd.s32 $0xFFFFC000  }
0x40: {  	_ =	swait.ge [sflag:s23], $0x4000  }
0x41: {  	[sflag:s23] =	ssyncset.done $0x0  }
0x42: {  	s10 =	rddreg [dreg:$0x9];
	[sflag:s23] =	ssyncadd.s32 $0xFFFFC000  }
0x43: {  	[hbm4b:s10+s3] =	stream.linear.scatter [tilespmem:s26], [sflag:$0x7], $0x4000, $0x38;
	[tilespmem:$0x18400] =	vst v63  }
0x44: {  	_ = 	snop  }
0x45: {  	[hbm4b:s11+s3] =	stream.linear.scatter [tilespmem:s29], [sflag:$0x8], $0x4000, $0x38;
	[tilespmem:$0x18400] =	vst v63  }
0x46: {  	_ =	swait.ge [sflag:s25], $0x4000  }
0x47: {  	[sflag:s25] =	ssyncset.done $0x0  }
0x48: {  	[sflag:s25] =	ssyncadd.s32 $0xFFFFC000  }
0x49: {  	_ =	swait.ge [sflag:s4], $0x4000  }
0x4a: {  	[sflag:s4] =	ssyncset.done $0x0  }
0x4b: {  	s7 =	simm.s32 $0x2300;
	[sflag:s4] =	ssyncadd.s32 $0xFFFFC000  }
0x4c: {  	[tilespmem:s26], [sflag:$0x3] =	stream.indirect.gather [spmem:s2], $0x80, s7, s21, $0xb8;
	[tilespmem:$0x18400] =	vst v63  }
0x4d: {  	s9 =	simm.s32 $0x2380  }
0x4e: {  	[tilespmem:s29], [sflag:$0x4] =	stream.indirect.gather [spmem:s2], $0x80, s9, s21, $0xb8;
	[tilespmem:$0x18400] =	vst v63  }
0x4f: {  	_ =	swait.ge [sflag:s30], $0x4000  }
0x50: {  	[sflag:s30] =	ssyncset.done $0x0  }
0x51: {  	[sflag:s30] =	ssyncadd.s32 $0xFFFFC000  }
0x52: {  	_ =	swait.ge [sflag:s31], $0x4000  }
0x53: {  	[sflag:s31] =	ssyncset.done $0x0  }
0x54: {  	s10 =	sadd.s32 $0x0, s16;
	s7 =	sadd.s32 $0x0, s17;
	[sflag:s31] =	ssyncadd.s32 $0xFFFFC000  }
0x55: {  	[hbm4b:s10+s3] =	stream.linear.scatter [tilespmem:s22], [sflag:$0x5], $0x4000, $0x38;
	[tilespmem:$0x18400] =	vst v63  }
0x56: {  	s9 =	sadd.s32 $0x2800, s7  }
0x57: {  	[hbm4b:s9+s3] =	stream.linear.scatter [tilespmem:s24], [sflag:$0x6], $0x4000, $0x38;
	[tilespmem:$0x18400] =	vst v63  }
0x58: {  	_ =	swait.ge [sflag:s1], $0x4000  }
0x59: {  	[sflag:s1] =	ssyncset.done $0x0  }
0x5a: {  	[sflag:s1] =	ssyncadd.s32 $0xFFFFC000  }
0x5b: {  	_ =	swait.ge [sflag:s0], $0x4000  }
0x5c: {  	[sflag:s0] =	ssyncset.done $0x0  }
0x5d: {  	s10 =	simm.s32 $0x2400;
	[sflag:s0] =	ssyncadd.s32 $0xFFFFC000  }
0x5e: {  	[tilespmem:s22], [sflag:$0x1] =	stream.indirect.gather [spmem:s2], $0x80, s10, s21, $0xb8;
	[tilespmem:$0x18400] =	vst v63  }
0x5f: {  	s9 =	simm.s32 $0x2480  }
0x60: {  	[tilespmem:s24], [sflag:$0x2] =	stream.indirect.gather [spmem:s2], $0x80, s9, s21, $0xb8;
	[tilespmem:$0x18400] =	vst v63  }
0x61: {  	_ =	swait.ge [sflag:s28], $0x4000  }
0x62: {  	[sflag:s28] =	ssyncset.done $0x0  }
0x63: {  	[sflag:s28] =	ssyncadd.s32 $0xFFFFC000  }
0x64: {  	_ =	swait.ge [sflag:s23], $0x4000  }
0x65: {  	s6 =	simm.s32 $0x2000;
	s10 =	sadd.s32 $0x3000, s7;
	[sflag:s23] =	ssyncset.done $0x0  }
0x66: {  	s9 =	sadd.s32 $0x3800, s7;
	s7 =	simm.s32 $0x2680;
	[sflag:s23] =	ssyncadd.s32 $0xFFFFC000  }
0x67: {  	[hbm4b:s10+s3] =	stream.linear.scatter [tilespmem:s26], [sflag:$0x7], $0x4000, $0x38;
	[tilespmem:$0x18400] =	vst v63  }
.LBB2_2:
0x68: {  	[hbm4b:s9+s3] =	stream.linear.scatter [tilespmem:s29], [sflag:$0x8], $0x4000, $0x38;
	[tilespmem:$0x18400] =	vst v63  }
0x69: {  	s9 =	smov.u32 s6  }
0x6a: {  	p0 =	sne.s32 s6, $0x5E000;
	s6 =	sadd.s32 $0x2000, s6;
	_ =	swait.ge [sflag:s25], $0x4000  }
0x6b: {  	[sflag:s25] =	ssyncset.done $0x0  }
0x6c: {  	[sflag:s25] =	ssyncadd.s32 $0xFFFFC000  }
0x6d: {  	_ =	swait.ge [sflag:s4], $0x4000  }
0x6e: {  	[sflag:s4] =	ssyncset.done $0x0  }
0x6f: {  	s10 =	sadd.s32 $0xFFFFFE80, s7;
	[sflag:s4] =	ssyncadd.s32 $0xFFFFC000  }
0x70: {  	[tilespmem:s26], [sflag:$0x3] =	stream.indirect.gather [spmem:s2], $0x80, s10, s21, $0xb8;
	[tilespmem:$0x18400] =	vst v63  }
0x71: {  	s10 =	sadd.s32 $0xFFFFFF00, s7  }
0x72: {  	[tilespmem:s29], [sflag:$0x4] =	stream.indirect.gather [spmem:s2], $0x80, s10, s21, $0xb8;
	[tilespmem:$0x18400] =	vst v63  }
0x73: {  	_ =	swait.ge [sflag:s30], $0x4000  }
0x74: {  	[sflag:s30] =	ssyncset.done $0x0  }
0x75: {  	[sflag:s30] =	ssyncadd.s32 $0xFFFFC000  }
0x76: {  	_ =	swait.ge [sflag:s31], $0x4000  }
0x77: {  	[sflag:s31] =	ssyncset.done $0x0  }
0x78: {  	s10 =	sadd.s32 s9, s16;
	s9 =	sadd.s32 s9, s17;
	[sflag:s31] =	ssyncadd.s32 $0xFFFFC000  }
0x79: {  	[hbm4b:s10+s3] =	stream.linear.scatter [tilespmem:s22], [sflag:$0x5], $0x4000, $0x38;
	[tilespmem:$0x18400] =	vst v63  }
0x7a: {  	s10 =	sadd.s32 $0x2800, s9  }
0x7b: {  	[hbm4b:s10+s3] =	stream.linear.scatter [tilespmem:s24], [sflag:$0x6], $0x4000, $0x38;
	[tilespmem:$0x18400] =	vst v63  }
0x7c: {  	_ =	swait.ge [sflag:s1], $0x4000  }
0x7d: {  	[sflag:s1] =	ssyncset.done $0x0  }
0x7e: {  	[sflag:s1] =	ssyncadd.s32 $0xFFFFC000  }
0x7f: {  	_ =	swait.ge [sflag:s0], $0x4000  }
0x80: {  	[sflag:s0] =	ssyncset.done $0x0  }
0x81: {  	s10 =	sadd.s32 $0xFFFFFF80, s7;
	[sflag:s0] =	ssyncadd.s32 $0xFFFFC000  }
0x82: {  	[tilespmem:s22], [sflag:$0x1] =	stream.indirect.gather [spmem:s2], $0x80, s10, s21, $0xb8;
	[tilespmem:$0x18400] =	vst v63  }
0x83: {  	_ = 	snop  }
0x84: {  	[tilespmem:s24], [sflag:$0x2] =	stream.indirect.gather [spmem:s2], $0x80, s7, s21, $0xb8;
	[tilespmem:$0x18400] =	vst v63  }
0x85: {  	_ =	swait.ge [sflag:s28], $0x4000  }
0x86: {  	[sflag:s28] =	ssyncset.done $0x0  }
0x87: {  	[sflag:s28] =	ssyncadd.s32 $0xFFFFC000  }
.Ltmp0:
0x88: {  	_ =	swait.ge [sflag:s23], $0x4000;
	(pc) =	sbr.rel @p0 .LBB2_2-.Ltmp0, $4  }
0x89: {  	[sflag:s23] =	ssyncset.done $0x0  }
0x8a: {  	s10 =	sadd.s32 $0x3000, s9;
	[sflag:s23] =	ssyncadd.s32 $0xFFFFC000  }
0x8b: {  	[hbm4b:s10+s3] =	stream.linear.scatter [tilespmem:s26], [sflag:$0x7], $0x4000, $0x38;
	[tilespmem:$0x18400] =	vst v63  }
0x8c: {  	s9 =	sadd.s32 $0x3800, s9;
	s7 =	sadd.s32 $0x200, s7  }
0x8d: {  	[hbm4b:s9+s3] =	stream.linear.scatter [tilespmem:s29], [sflag:$0x8], $0x4000, $0x38;
	[tilespmem:$0x18400] =	vst v63  }
0x8e: {  	_ =	swait.ge [sflag:s25], $0x4000  }
0x8f: {  	[sflag:s25] =	ssyncset.done $0x0  }
0x90: {  	[sflag:s25] =	ssyncadd.s32 $0xFFFFC000  }
0x91: {  	_ =	swait.ge [sflag:s4], $0x4000  }
0x92: {  	[sflag:s4] =	ssyncset.done $0x0  }
0x93: {  	s6 =	simm.s32 $0x8300;
	[sflag:s4] =	ssyncadd.s32 $0xFFFFC000  }
0x94: {  	[tilespmem:s26], [sflag:$0x3] =	stream.indirect.gather [spmem:s2], $0x80, s6, s21, $0xb8;
	[tilespmem:$0x18400] =	vst v63  }
0x95: {  	s9 =	simm.s32 $0x8380  }
0x96: {  	[tilespmem:s29], [sflag:$0x4] =	stream.indirect.gather [spmem:s2], $0x80, s9, s21, $0xb8;
	[tilespmem:$0x18400] =	vst v63  }
0x97: {  	_ =	swait.ge [sflag:s30], $0x4000  }
0x98: {  	[sflag:s30] =	ssyncset.done $0x0  }
0x99: {  	[sflag:s30] =	ssyncadd.s32 $0xFFFFC000  }
0x9a: {  	_ =	swait.ge [sflag:s31], $0x4000  }
0x9b: {  	[sflag:s31] =	ssyncset.done $0x0  }
0x9c: {  	[sflag:s31] =	ssyncadd.s32 $0xFFFFC000  }
0x9d: {  	[hbm4b:s12+s3] =	stream.linear.scatter [tilespmem:s22], [sflag:$0x5], $0x4000, $0x38;
	[tilespmem:$0x18400] =	vst v63  }
0x9e: {  	_ = 	snop  }
0x9f: {  	[hbm4b:s13+s3] =	stream.linear.scatter [tilespmem:s24], [sflag:$0x6], $0x4000, $0x38;
	[tilespmem:$0x18400] =	vst v63  }
0xa0: {  	_ =	swait.ge [sflag:s1], $0x4000  }
0xa1: {  	[sflag:s1] =	ssyncset.done $0x0  }
0xa2: {  	[sflag:s1] =	ssyncadd.s32 $0xFFFFC000  }
0xa3: {  	_ =	swait.ge [sflag:s0], $0x4000  }
0xa4: {  	[sflag:s0] =	ssyncset.done $0x0  }
0xa5: {  	[sflag:s0] =	ssyncadd.s32 $0xFFFFC000  }
0xa6: {  	_ =	swait.ge [sflag:s28], $0x4000  }
0xa7: {  	[sflag:s28] =	ssyncset.done $0x0  }
0xa8: {  	[sflag:s28] =	ssyncadd.s32 $0xFFFFC000  }
0xa9: {  	_ =	swait.ge [sflag:s23], $0x4000  }
0xaa: {  	[sflag:s23] =	ssyncset.done $0x0  }
0xab: {  	[sflag:s23] =	ssyncadd.s32 $0xFFFFC000  }
0xac: {  	[hbm4b:s14+s3] =	stream.linear.scatter [tilespmem:s26], [sflag:$0x7], $0x4000, $0x38;
	[tilespmem:$0x18400] =	vst v63  }
0xad: {  	_ = 	snop  }
0xae: {  	[hbm4b:s15+s3] =	stream.linear.scatter [tilespmem:s29], [sflag:$0x8], $0x4000, $0x38;
	[tilespmem:$0x18400] =	vst v63  }
0xaf: {  	_ =	swait.ge [sflag:s25], $0x4000  }
0xb0: {  	[sflag:s25] =	ssyncset.done $0x0  }
0xb1: {  	[sflag:s25] =	ssyncadd.s32 $0xFFFFC000  }
0xb2: {  	_ =	swait.ge [sflag:s4], $0x4000  }
0xb3: {  	s5 =	sadd.s32 $0x1, s5;
	s10 =	rddreg [dreg:$0x7]  }
0xb4: {  	p0 =	sne.s32 s5, s10  }
.Ltmp1:
0xb5: {  	_ = 	snop;
	(pc) =	sbr.rel @p0 .LBB2_1-.Ltmp1, $3  }
0xb6: {  	_ =	sdelay $0x1  }
0xb7: {  	[sflag:s4] =	ssyncset.done $0x0  }
0xb8: {  	[sflag:s4] =	ssyncadd.s32 $0xFFFFC000  }
0xb9: {  	_ =	sfence.sel $0x180000  }
0xba: {  	[bflag:$0x0] =	sbarrier.arrive $0xFFFF  }
0xbb: {  	_ =	strace $0x90000047  }
0xbc: {  	s0 =	stileid.u32;
	[bflag:$0x2] =	sbarrier.arrive $0xFFFF  }
0xbd: {  	p0 =	sne.s32 s0, $0x0;
	s0 =	rddreg [dreg:$0x3]  }
0xbe: {  	s0 =	sadd.s32 @!p0 $0x100000, s0  }
0xbf: {  	[sflag:s0] =	ssyncadd.tile.s32 @!p0 $0x1;
	_ =	shalt  }
.Lfunc_end2:
_tile_overlayer_lowered:
.L_overlay_start_2:
0xc0: {  	(tag) =	ssettag $0x2  }
0xc1: {  	s0 =	rddreg [dreg:$0x0];
	s2 =	stileid.u32  }
0xc2: {  	s1 =	rddreg [dreg:$0x1];
	p0 =	sne.s32 s2, $0x0  }
0xc3: {  	s3 =	rddreg [dreg:$0x2];
	[bflag:$0x3] =	sbarrier.arrive $0xFFFF;
	s2 =	simm.s32 @!p0 $0x1C09  }
0xc4: {  	[timem:s3], [sflag:s2] =	dma.local @!p0 [hbm:s0], s1  }
0xc5: {  	s0 =	simm.s32 @!p0 $0x9  }
0xc6: {  	_ =	swait.ge @!p0 [sflag:s0], s1  }
0xc7: {  	s1 =	ssub.s32 @!p0 $0x0, s1;
	[sflag:s0] =	ssyncset.done @!p0 $0x0  }
0xc8: {  	[sflag:s0] =	ssyncadd.s32 @!p0 s1  }
0xc9: {  	[bflag:$0x3] =	sbarrier.arrive $0xFFFF  }
0xca: {  	_ =	shalt  }

</sc_bundles>
